<compile_context>
chip_gen: v7x
topology: tpu7x:2x2x1
jax: 0.10.2.dev20260603
libtpu: 0.0.44.dev20260713+nightly
codegen_flags: <defaults>
</compile_context>

<pallas_src>
import functools

import jax
import jax.numpy as jnp
from jax import lax
from jax.experimental import pallas as pl
from jax.experimental.pallas import tpu as pltpu
from jax.experimental.pallas import tpu_sc as plsc

NODE_DIM = 256
EDGE_DIM = 128
HID = 256
H = 200
_NC = 2
_NS = 16
_L = 16
_HPAD = _NS * _L

_sc_mesh = plsc.VectorSubcoreMesh(
    core_axis_name="c", subcore_axis_name="s", num_cores=_NC, num_subcores=_NS
)


@functools.partial(
    pl.kernel,
    out_type=jax.ShapeDtypeStruct((2 * EDGE_DIM,), jnp.float32),
    mesh=_sc_mesh,
    scratch_types=[
        pltpu.VMEM((_L,), jnp.int32),
        pltpu.VMEM((_L, EDGE_DIM), jnp.float32),
        pltpu.VMEM((2, EDGE_DIM), jnp.float32),
        pltpu.VMEM_SHARED((2, EDGE_DIM), jnp.float32),
        pltpu.SemaphoreType.DMA,
    ],
)
def _sc_edge_sum(idx_hbm, ef_hbm, out_hbm, idx_v, rows_v, zero_v, acc_sh, sem0):
    c = lax.axis_index("c")
    s = lax.axis_index("s")
    cp_idx = pltpu.async_copy(
        idx_hbm.at[pl.ds(c * _HPAD + s * _L, _L)], idx_v, sem0)

    @pl.when(s == 0)
    def _zero():
        for r in range(2):
            for k in range(EDGE_DIM // _L):
                zero_v[r, pl.ds(k * _L, _L)] = jnp.zeros((_L,), jnp.float32)
        pltpu.sync_copy(zero_v, acc_sh)

    cp_idx.wait()
    idx = idx_v[...]
    dst = jnp.where(idx < 0, 1, 0)
    idxc = jnp.maximum(idx, 0)
    pltpu.sync_copy(ef_hbm.at[idxc], rows_v)
    plsc.subcore_barrier()
    pltpu.sync_copy(rows_v, acc_sh.at[dst], add=True)
    plsc.subcore_barrier()

    @pl.when(s == 0)
    def _writeback():
        pltpu.sync_copy(acc_sh.at[0], out_hbm.at[pl.ds(c * EDGE_DIM, EDGE_DIM)])


def _tc_prep_body(uv_ref, tp_ref, nfu_ref, nfv_ref, tsu_ref, tsv_ref,
                  ehu_ref, ehv_ref, Wp_ref, bp_ref,
                  idx_out, cnt_out, part_out):
    f32 = jnp.float32
    i32 = jnp.int32
    t1 = tp_ref[0]
    t3 = tp_ref[1]
    pad_i = jnp.zeros((1, _HPAD - H), i32)
    pad_f = jnp.zeros((1, _HPAD - H), f32)
    rows = []
    cnts = []
    for ts_ref, eh_ref in ((tsu_ref, ehu_ref), (tsv_ref, ehv_ref)):
        ts = ts_ref[0]
        m = ((ts >= t3) & (ts <= t1)).astype(f32)
        cnts.append(jnp.sum(m))
        mp = jnp.concatenate([m, pad_f], axis=1)
        ehp = jnp.concatenate([eh_ref[0], pad_i], axis=1)
        rows.append(jnp.where(mp > 0.0, ehp, -1))
    idx_out[...] = jnp.concatenate(rows, axis=0).reshape(2 * _HPAD)
    cnt_out[...] = jnp.concatenate(
        [jnp.full((1, EDGE_DIM), cnts[0], f32),
         jnp.full((1, EDGE_DIM), cnts[1], f32)], axis=0)
    Wp = Wp_ref[...]
    part_out[...] = (
        jnp.dot(nfu_ref[0], Wp[0:NODE_DIM], preferred_element_type=f32)
        + jnp.dot(nfv_ref[0], Wp[NODE_DIM + HID:2 * NODE_DIM + HID],
                  preferred_element_type=f32)
        + bp_ref[...]
    )


def _tc_mlp_body(sums_ref, cnt_ref, part_ref, We1_ref, be1_ref, We2_ref,
                 be2_ref, Wp_ref, out_ref):
    f32 = jnp.float32
    cnts = cnt_ref[...]
    sums = sums_ref[...].reshape(2, EDGE_DIM)
    mean = sums / jnp.maximum(cnts, 1.0)
    h1 = jnp.maximum(
        jnp.dot(mean, We1_ref[...], preferred_element_type=f32) + be1_ref[...],
        0.0,
    )
    h2 = jnp.dot(h1, We2_ref[...], preferred_element_type=f32) + be2_ref[...]
    h2 = jnp.where(cnts[:, 0:1] > 0.0, h2, 0.0)
    Wp = Wp_ref[...]
    out_ref[...] = (
        part_ref[...]
        + jnp.dot(h2[0:1], Wp[NODE_DIM:NODE_DIM + HID],
                  preferred_element_type=f32)
        + jnp.dot(h2[1:2], Wp[2 * NODE_DIM + HID:],
                  preferred_element_type=f32)
    )


def kernel(u, v, t1, t2, t3, node_features, edge_features, node_timestamps,
           edge_timestamps, node_history, edge_history, node_time_varying,
           We1, be1, We2, be2, Wp, bp):
    n_nodes = node_features.shape[0]
    u32 = jnp.asarray(u, jnp.int32)
    v32 = jnp.asarray(v, jnp.int32)
    uv2 = jnp.stack([u32, v32])
    tp2 = jnp.stack([jnp.asarray(t1, jnp.float32), jnp.asarray(t3, jnp.float32)])

    nf3 = node_features.reshape(n_nodes, 1, NODE_DIM)
    ets3 = edge_timestamps.reshape(n_nodes, 1, H)
    eh3 = edge_history.reshape(n_nodes, 1, H)

    prep_spec = pltpu.PrefetchScalarGridSpec(
        num_scalar_prefetch=2,
        grid=(1,),
        in_specs=[
            pl.BlockSpec((1, 1, NODE_DIM), lambda i, uv, tp: (uv[0], 0, 0)),
            pl.BlockSpec((1, 1, NODE_DIM), lambda i, uv, tp: (uv[1], 0, 0)),
            pl.BlockSpec((1, 1, H), lambda i, uv, tp: (uv[0], 0, 0)),
            pl.BlockSpec((1, 1, H), lambda i, uv, tp: (uv[1], 0, 0)),
            pl.BlockSpec((1, 1, H), lambda i, uv, tp: (uv[0], 0, 0)),
            pl.BlockSpec((1, 1, H), lambda i, uv, tp: (uv[1], 0, 0)),
            pl.BlockSpec((2 * (NODE_DIM + HID), EDGE_DIM),
                         lambda i, uv, tp: (0, 0)),
            pl.BlockSpec((1, EDGE_DIM), lambda i, uv, tp: (0, 0)),
        ],
        out_specs=[
            pl.BlockSpec((2 * _HPAD,), lambda i, uv, tp: (0,)),
            pl.BlockSpec((2, EDGE_DIM), lambda i, uv, tp: (0, 0)),
            pl.BlockSpec((1, EDGE_DIM), lambda i, uv, tp: (0, 0)),
        ],
    )
    idx_all, cnt2, part = pl.pallas_call(
        _tc_prep_body,
        grid_spec=prep_spec,
        out_shape=[
            jax.ShapeDtypeStruct((2 * _HPAD,), jnp.int32),
            jax.ShapeDtypeStruct((2, EDGE_DIM), jnp.float32),
            jax.ShapeDtypeStruct((1, EDGE_DIM), jnp.float32),
        ],
    )(uv2, tp2, nf3, nf3, ets3, ets3, eh3, eh3, Wp, bp.reshape(1, EDGE_DIM))

    sums = _sc_edge_sum(idx_all, edge_features)

    out = pl.pallas_call(
        _tc_mlp_body,
        out_shape=jax.ShapeDtypeStruct((1, EDGE_DIM), jnp.float32),
    )(sums, cnt2, part, We1, be1.reshape(1, HID), We2, be2.reshape(1, HID), Wp)
    return out.reshape(EDGE_DIM)

# --- scband reference (transcript-rebuilt; emitter-appended) ---
"""Pipeline reference for scband-edge-prompt-generator-88759794139235 (READ-ONLY COPY).

The authoritative reference and input builder live on the scoring server;
editing this copy changes nothing except your own understanding.
"""

import jax, jax.numpy as jnp
import numpy as np

NODE_FEAT_DIM = 256
EDGE_FEAT_DIM = 128
HIDDEN_DIM = 256
N_NODES = 10000
N_EDGES = 320000
H = 200


def setup_inputs(seed: int = 0) -> dict:
    key = jax.random.key(seed)
    ks = jax.random.split(key, 8)
    inp = {}
    inp["u"] = 1234
    inp["v"] = 5678
    inp["t1"] = jnp.ones((), jnp.float32)
    inp["t2"] = jnp.zeros((), jnp.float32)
    inp["t3"] = jnp.zeros((), jnp.float32)
    inp["node_features"] = jax.random.normal(ks[0], (N_NODES, NODE_FEAT_DIM), jnp.float32)
    inp["edge_features"] = jax.random.normal(ks[1], (N_EDGES, EDGE_FEAT_DIM), jnp.float32)
    inp["node_timestamps"] = jnp.zeros((N_NODES, H), jnp.float32)
    inp["edge_timestamps"] = jax.random.uniform(ks[2], (N_NODES, H), jnp.float32)
    inp["node_history"] = jax.random.randint(ks[3], (N_NODES, H), 0, N_NODES)
    inp["edge_history"] = jax.random.randint(ks[4], (N_NODES, H), 0, N_EDGES)
    inp["node_time_varying"] = 0
    inp["We1"] = jax.random.normal(ks[5], (EDGE_FEAT_DIM, HIDDEN_DIM), jnp.float32) / np.sqrt(EDGE_FEAT_DIM)
    inp["be1"] = jnp.zeros((HIDDEN_DIM,), jnp.float32)
    inp["We2"] = jax.random.normal(ks[6], (HIDDEN_DIM, HIDDEN_DIM), jnp.float32) / np.sqrt(HIDDEN_DIM)
    inp["be2"] = jnp.zeros((HIDDEN_DIM,), jnp.float32)
    in_dim = 2 * (HIDDEN_DIM + NODE_FEAT_DIM)
    inp["Wp"] = jax.random.normal(ks[7], (in_dim, EDGE_FEAT_DIM), jnp.float32) / np.sqrt(in_dim)
    inp["bp"] = jnp.zeros((EDGE_FEAT_DIM,), jnp.float32)
    return inp


def _edge_agg(node_idx, t1, t3, edge_timestamps, edge_history, edge_features, We1, be1, We2, be2):
    # edge_timestamps[node] filtered to [t3, t1]; masked mean of gathered edge feats; MLP; zeros if empty
    ts = edge_timestamps[node_idx]                      # [H]
    mask = (ts >= t3) & (ts <= t1)                      # [H]
    feats = edge_features[edge_history[node_idx]]       # [H, d_e] gather
    cnt = jnp.sum(mask)
    mean = jnp.sum(feats * mask[:, None].astype(feats.dtype), axis=0) / jnp.maximum(cnt, 1).astype(feats.dtype)
    h = jnp.maximum(mean @ We1 + be1, 0.0) @ We2 + be2
    return jnp.where(cnt > 0, h, jnp.zeros_like(h))


def reference(u, v, t1, t2, t3, node_features, edge_features, node_timestamps, edge_timestamps, node_history, edge_history, node_time_varying, We1, be1, We2, be2, Wp, bp):
    # node_time_varying is falsy: static node features path (node_timestamps/node_history unused)
    u1 = node_features[u]
    u2 = _edge_agg(u, t1, t3, edge_timestamps, edge_history, edge_features, We1, be1, We2, be2)
    u3 = jnp.concatenate([u1, u2], axis=0)
    v1 = node_features[v]
    v2 = _edge_agg(v, t1, t3, edge_timestamps, edge_history, edge_features, We1, be1, We2, be2)
    v3 = jnp.concatenate([v1, v2], axis=0)
    edge_prompt = jnp.concatenate([u3, v3], axis=0) @ Wp + bp
    return edge_prompt

if __name__ == "__main__":
    import jax
    _d = setup_inputs()
    print(jax.jit(kernel)(*tuple(_d.values())))

</pallas_src>

<mosaic_0001>
#map = affine_map<(d0, d1) -> (0)>
#map1 = affine_map<(d0, d1) -> (0, 0)>
module attributes {stable_mosaic.version = 14 : i64} {
  func.func @_sc_edge_sum(%arg0: i32, %arg1: i32, %arg2: memref<512xi32, #tpu.memory_space<hbm>>, %arg3: memref<320000x128xf32, #tpu.memory_space<hbm>>, %arg4: memref<256xf32, #tpu.memory_space<hbm>>, %arg5: memref<16xi32, #tpu.memory_space<vmem>>, %arg6: memref<16x128xf32, #tpu.memory_space<vmem>>, %arg7: memref<2x128xf32, #tpu.memory_space<vmem>>, %arg8: memref<2x128xf32, #tpu.memory_space<vmem_shared>>, %arg9: memref<!tpu.dma_semaphore, #tpu.memory_space<semaphore_mem>>) attributes {dimension_semantics = [#tpu.dimension_semantics<core_parallel>, #tpu.dimension_semantics<subcore_parallel>], iteration_bounds = array<i64: 2, 16>, scalar_prefetch = 0 : i64, scratch_operands = 5 : i64, tpu.core_type = #tpu.core_type<sc_vector_subcore>, window_params = [{transform_indices = #map}, {transform_indices = #map1}, {transform_indices = #map}]} {
    %mul3A = arith.constant 256 : i32
    %mul3A_0 = arith.muli %arg0, %mul3A : i32
    %mul3A_1 = arith.constant 16 : i32
    %mul3A_2 = arith.muli %arg1, %mul3A_1 : i32
    %add3A = arith.addi %mul3A_0, %mul3A_2 : i32
    %dma_start3A = tpu.memref_slice %arg2[%add3A] : memref<512xi32, #tpu.memory_space<hbm>> -> memref<16xi32, #tpu.memory_space<hbm>>
    %dma_start3A_3 = tpu.memref_slice %arg2[%add3A] : memref<512xi32, #tpu.memory_space<hbm>> -> memref<16xi32, #tpu.memory_space<hbm>>
    tpu.enqueue_dma source(%dma_start3A_3 : memref<16xi32, #tpu.memory_space<hbm>>) target(%arg5 : memref<16xi32, #tpu.memory_space<vmem>>) target_semaphore(%arg9 : memref<!tpu.dma_semaphore, #tpu.memory_space<semaphore_mem>>)
    %eq3A = arith.constant 0 : i32
    %eq3A_4 = arith.cmpi eq, %arg1, %eq3A : i32
    %convert_element_type3A = arith.extui %eq3A_4 : i1 to i32
    %cond3A = arith.constant 0 : i32
    %cond3A_5 = arith.cmpi ne, %convert_element_type3A, %cond3A : i32
    scf.if %cond3A_5 {
      %broadcast_in_dim3A_21 = arith.constant 0.000000e+00 : f32
      %broadcast_in_dim3A_22 = vector.broadcast %broadcast_in_dim3A_21 : f32 to vector<16xf32>
      %swap3A = arith.constant 0 : i32
      %swap3A_23 = arith.index_cast %swap3A : i32 to index
      %swap3A_24 = arith.constant 0 : index
      %swap3A_25 = tpu.vector_load %arg7[%swap3A_23, %swap3A_24] {strides = array<i32>} : memref<2x128xf32, #tpu.memory_space<vmem>>, vector<1x16xf32>,
      %swap3A_26 = vector.shape_cast %swap3A_25 : vector<1x16xf32> to vector<16xf32>
      %swap3A_27 = vector.shape_cast %broadcast_in_dim3A_22 : vector<16xf32> to vector<1x16xf32>
      tpu.vector_store %arg7[%swap3A_23, %swap3A_24], %swap3A_27 {strides = array<i32>} : memref<2x128xf32, #tpu.memory_space<vmem>>, vector<1x16xf32>,
      %broadcast_in_dim3A_28 = arith.constant 0.000000e+00 : f32
      %broadcast_in_dim3A_29 = vector.broadcast %broadcast_in_dim3A_28 : f32 to vector<16xf32>
      %swap3A_30 = arith.constant 0 : i32
      %swap3A_31 = arith.index_cast %swap3A_30 : i32 to index
      %swap3A_32 = arith.constant 16 : index
      %swap3A_33 = tpu.vector_load %arg7[%swap3A_31, %swap3A_32] {strides = array<i32>} : memref<2x128xf32, #tpu.memory_space<vmem>>, vector<1x16xf32>,
      %swap3A_34 = vector.shape_cast %swap3A_33 : vector<1x16xf32> to vector<16xf32>
      %swap3A_35 = vector.shape_cast %broadcast_in_dim3A_29 : vector<16xf32> to vector<1x16xf32>
      tpu.vector_store %arg7[%swap3A_31, %swap3A_32], %swap3A_35 {strides = array<i32>} : memref<2x128xf32, #tpu.memory_space<vmem>>, vector<1x16xf32>,
      %broadcast_in_dim3A_36 = arith.constant 0.000000e+00 : f32
      %broadcast_in_dim3A_37 = vector.broadcast %broadcast_in_dim3A_36 : f32 to vector<16xf32>
      %swap3A_38 = arith.constant 0 : i32
      %swap3A_39 = arith.index_cast %swap3A_38 : i32 to index
      %swap3A_40 = arith.constant 32 : index
      %swap3A_41 = tpu.vector_load %arg7[%swap3A_39, %swap3A_40] {strides = array<i32>} : memref<2x128xf32, #tpu.memory_space<vmem>>, vector<1x16xf32>,
      %swap3A_42 = vector.shape_cast %swap3A_41 : vector<1x16xf32> to vector<16xf32>
      %swap3A_43 = vector.shape_cast %broadcast_in_dim3A_37 : vector<16xf32> to vector<1x16xf32>
      tpu.vector_store %arg7[%swap3A_39, %swap3A_40], %swap3A_43 {strides = array<i32>} : memref<2x128xf32, #tpu.memory_space<vmem>>, vector<1x16xf32>,
      %broadcast_in_dim3A_44 = arith.constant 0.000000e+00 : f32
      %broadcast_in_dim3A_45 = vector.broadcast %broadcast_in_dim3A_44 : f32 to vector<16xf32>
      %swap3A_46 = arith.constant 0 : i32
      %swap3A_47 = arith.index_cast %swap3A_46 : i32 to index
      %swap3A_48 = arith.constant 48 : index
      %swap3A_49 = tpu.vector_load %arg7[%swap3A_47, %swap3A_48] {strides = array<i32>} : memref<2x128xf32, #tpu.memory_space<vmem>>, vector<1x16xf32>,
      %swap3A_50 = vector.shape_cast %swap3A_49 : vector<1x16xf32> to vector<16xf32>
      %swap3A_51 = vector.shape_cast %broadcast_in_dim3A_45 : vector<16xf32> to vector<1x16xf32>
      tpu.vector_store %arg7[%swap3A_47, %swap3A_48], %swap3A_51 {strides = array<i32>} : memref<2x128xf32, #tpu.memory_space<vmem>>, vector<1x16xf32>,
      %broadcast_in_dim3A_52 = arith.constant 0.000000e+00 : f32
      %broadcast_in_dim3A_53 = vector.broadcast %broadcast_in_dim3A_52 : f32 to vector<16xf32>
      %swap3A_54 = arith.constant 0 : i32
      %swap3A_55 = arith.index_cast %swap3A_54 : i32 to index
      %swap3A_56 = arith.constant 64 : index
      %swap3A_57 = tpu.vector_load %arg7[%swap3A_55, %swap3A_56] {strides = array<i32>} : memref<2x128xf32, #tpu.memory_space<vmem>>, vector<1x16xf32>,
      %swap3A_58 = vector.shape_cast %swap3A_57 : vector<1x16xf32> to vector<16xf32>
      %swap3A_59 = vector.shape_cast %broadcast_in_dim3A_53 : vector<16xf32> to vector<1x16xf32>
      tpu.vector_store %arg7[%swap3A_55, %swap3A_56], %swap3A_59 {strides = array<i32>} : memref<2x128xf32, #tpu.memory_space<vmem>>, vector<1x16xf32>,
      %broadcast_in_dim3A_60 = arith.constant 0.000000e+00 : f32
      %broadcast_in_dim3A_61 = vector.broadcast %broadcast_in_dim3A_60 : f32 to vector<16xf32>
      %swap3A_62 = arith.constant 0 : i32
      %swap3A_63 = arith.index_cast %swap3A_62 : i32 to index
      %swap3A_64 = arith.constant 80 : index
      %swap3A_65 = tpu.vector_load %arg7[%swap3A_63, %swap3A_64] {strides = array<i32>} : memref<2x128xf32, #tpu.memory_space<vmem>>, vector<1x16xf32>,
      %swap3A_66 = vector.shape_cast %swap3A_65 : vector<1x16xf32> to vector<16xf32>
      %swap3A_67 = vector.shape_cast %broadcast_in_dim3A_61 : vector<16xf32> to vector<1x16xf32>
      tpu.vector_store %arg7[%swap3A_63, %swap3A_64], %swap3A_67 {strides = array<i32>} : memref<2x128xf32, #tpu.memory_space<vmem>>, vector<1x16xf32>,
      %broadcast_in_dim3A_68 = arith.constant 0.000000e+00 : f32
      %broadcast_in_dim3A_69 = vector.broadcast %broadcast_in_dim3A_68 : f32 to vector<16xf32>
      %swap3A_70 = arith.constant 0 : i32
      %swap3A_71 = arith.index_cast %swap3A_70 : i32 to index
      %swap3A_72 = arith.constant 96 : index
      %swap3A_73 = tpu.vector_load %arg7[%swap3A_71, %swap3A_72] {strides = array<i32>} : memref<2x128xf32, #tpu.memory_space<vmem>>, vector<1x16xf32>,
      %swap3A_74 = vector.shape_cast %swap3A_73 : vector<1x16xf32> to vector<16xf32>
      %swap3A_75 = vector.shape_cast %broadcast_in_dim3A_69 : vector<16xf32> to vector<1x16xf32>
      tpu.vector_store %arg7[%swap3A_71, %swap3A_72], %swap3A_75 {strides = array<i32>} : memref<2x128xf32, #tpu.memory_space<vmem>>, vector<1x16xf32>,
      %broadcast_in_dim3A_76 = arith.constant 0.000000e+00 : f32
      %broadcast_in_dim3A_77 = vector.broadcast %broadcast_in_dim3A_76 : f32 to vector<16xf32>
      %swap3A_78 = arith.constant 0 : i32
      %swap3A_79 = arith.index_cast %swap3A_78 : i32 to index
      %swap3A_80 = arith.constant 112 : index
      %swap3A_81 = tpu.vector_load %arg7[%swap3A_79, %swap3A_80] {strides = array<i32>} : memref<2x128xf32, #tpu.memory_space<vmem>>, vector<1x16xf32>,
      %swap3A_82 = vector.shape_cast %swap3A_81 : vector<1x16xf32> to vector<16xf32>
      %swap3A_83 = vector.shape_cast %broadcast_in_dim3A_77 : vector<16xf32> to vector<1x16xf32>
      tpu.vector_store %arg7[%swap3A_79, %swap3A_80], %swap3A_83 {strides = array<i32>} : memref<2x128xf32, #tpu.memory_space<vmem>>, vector<1x16xf32>,
      %broadcast_in_dim3A_84 = arith.constant 0.000000e+00 : f32
      %broadcast_in_dim3A_85 = vector.broadcast %broadcast_in_dim3A_84 : f32 to vector<16xf32>
      %swap3A_86 = arith.constant 1 : i32
      %swap3A_87 = arith.index_cast %swap3A_86 : i32 to index
      %swap3A_88 = arith.constant 0 : index
      %swap3A_89 = tpu.vector_load %arg7[%swap3A_87, %swap3A_88] {strides = array<i32>} : memref<2x128xf32, #tpu.memory_space<vmem>>, vector<1x16xf32>,
      %swap3A_90 = vector.shape_cast %swap3A_89 : vector<1x16xf32> to vector<16xf32>
      %swap3A_91 = vector.shape_cast %broadcast_in_dim3A_85 : vector<16xf32> to vector<1x16xf32>
      tpu.vector_store %arg7[%swap3A_87, %swap3A_88], %swap3A_91 {strides = array<i32>} : memref<2x128xf32, #tpu.memory_space<vmem>>, vector<1x16xf32>,
      %broadcast_in_dim3A_92 = arith.constant 0.000000e+00 : f32
      %broadcast_in_dim3A_93 = vector.broadcast %broadcast_in_dim3A_92 : f32 to vector<16xf32>
      %swap3A_94 = arith.constant 1 : i32
      %swap3A_95 = arith.index_cast %swap3A_94 : i32 to index
      %swap3A_96 = arith.constant 16 : index
      %swap3A_97 = tpu.vector_load %arg7[%swap3A_95, %swap3A_96] {strides = array<i32>} : memref<2x128xf32, #tpu.memory_space<vmem>>, vector<1x16xf32>,
      %swap3A_98 = vector.shape_cast %swap3A_97 : vector<1x16xf32> to vector<16xf32>
      %swap3A_99 = vector.shape_cast %broadcast_in_dim3A_93 : vector<16xf32> to vector<1x16xf32>
      tpu.vector_store %arg7[%swap3A_95, %swap3A_96], %swap3A_99 {strides = array<i32>} : memref<2x128xf32, #tpu.memory_space<vmem>>, vector<1x16xf32>,
      %broadcast_in_dim3A_100 = arith.constant 0.000000e+00 : f32
      %broadcast_in_dim3A_101 = vector.broadcast %broadcast_in_dim3A_100 : f32 to vector<16xf32>
      %swap3A_102 = arith.constant 1 : i32
      %swap3A_103 = arith.index_cast %swap3A_102 : i32 to index
      %swap3A_104 = arith.constant 32 : index
      %swap3A_105 = tpu.vector_load %arg7[%swap3A_103, %swap3A_104] {strides = array<i32>} : memref<2x128xf32, #tpu.memory_space<vmem>>, vector<1x16xf32>,
      %swap3A_106 = vector.shape_cast %swap3A_105 : vector<1x16xf32> to vector<16xf32>
      %swap3A_107 = vector.shape_cast %broadcast_in_dim3A_101 : vector<16xf32> to vector<1x16xf32>
      tpu.vector_store %arg7[%swap3A_103, %swap3A_104], %swap3A_107 {strides = array<i32>} : memref<2x128xf32, #tpu.memory_space<vmem>>, vector<1x16xf32>,
      %broadcast_in_dim3A_108 = arith.constant 0.000000e+00 : f32
      %broadcast_in_dim3A_109 = vector.broadcast %broadcast_in_dim3A_108 : f32 to vector<16xf32>
      %swap3A_110 = arith.constant 1 : i32
      %swap3A_111 = arith.index_cast %swap3A_110 : i32 to index
      %swap3A_112 = arith.constant 48 : index
      %swap3A_113 = tpu.vector_load %arg7[%swap3A_111, %swap3A_112] {strides = array<i32>} : memref<2x128xf32, #tpu.memory_space<vmem>>, vector<1x16xf32>,
      %swap3A_114 = vector.shape_cast %swap3A_113 : vector<1x16xf32> to vector<16xf32>
      %swap3A_115 = vector.shape_cast %broadcast_in_dim3A_109 : vector<16xf32> to vector<1x16xf32>
      tpu.vector_store %arg7[%swap3A_111, %swap3A_112], %swap3A_115 {strides = array<i32>} : memref<2x128xf32, #tpu.memory_space<vmem>>, vector<1x16xf32>,
      %broadcast_in_dim3A_116 = arith.constant 0.000000e+00 : f32
      %broadcast_in_dim3A_117 = vector.broadcast %broadcast_in_dim3A_116 : f32 to vector<16xf32>
      %swap3A_118 = arith.constant 1 : i32
      %swap3A_119 = arith.index_cast %swap3A_118 : i32 to index
      %swap3A_120 = arith.constant 64 : index
      %swap3A_121 = tpu.vector_load %arg7[%swap3A_119, %swap3A_120] {strides = array<i32>} : memref<2x128xf32, #tpu.memory_space<vmem>>, vector<1x16xf32>,
      %swap3A_122 = vector.shape_cast %swap3A_121 : vector<1x16xf32> to vector<16xf32>
      %swap3A_123 = vector.shape_cast %broadcast_in_dim3A_117 : vector<16xf32> to vector<1x16xf32>
      tpu.vector_store %arg7[%swap3A_119, %swap3A_120], %swap3A_123 {strides = array<i32>} : memref<2x128xf32, #tpu.memory_space<vmem>>, vector<1x16xf32>,
      %broadcast_in_dim3A_124 = arith.constant 0.000000e+00 : f32
      %broadcast_in_dim3A_125 = vector.broadcast %broadcast_in_dim3A_124 : f32 to vector<16xf32>
      %swap3A_126 = arith.constant 1 : i32
      %swap3A_127 = arith.index_cast %swap3A_126 : i32 to index
      %swap3A_128 = arith.constant 80 : index
      %swap3A_129 = tpu.vector_load %arg7[%swap3A_127, %swap3A_128] {strides = array<i32>} : memref<2x128xf32, #tpu.memory_space<vmem>>, vector<1x16xf32>,
      %swap3A_130 = vector.shape_cast %swap3A_129 : vector<1x16xf32> to vector<16xf32>
      %swap3A_131 = vector.shape_cast %broadcast_in_dim3A_125 : vector<16xf32> to vector<1x16xf32>
      tpu.vector_store %arg7[%swap3A_127, %swap3A_128], %swap3A_131 {strides = array<i32>} : memref<2x128xf32, #tpu.memory_space<vmem>>, vector<1x16xf32>,
      %broadcast_in_dim3A_132 = arith.constant 0.000000e+00 : f32
      %broadcast_in_dim3A_133 = vector.broadcast %broadcast_in_dim3A_132 : f32 to vector<16xf32>
      %swap3A_134 = arith.constant 1 : i32
      %swap3A_135 = arith.index_cast %swap3A_134 : i32 to index
      %swap3A_136 = arith.constant 96 : index
      %swap3A_137 = tpu.vector_load %arg7[%swap3A_135, %swap3A_136] {strides = array<i32>} : memref<2x128xf32, #tpu.memory_space<vmem>>, vector<1x16xf32>,
      %swap3A_138 = vector.shape_cast %swap3A_137 : vector<1x16xf32> to vector<16xf32>
      %swap3A_139 = vector.shape_cast %broadcast_in_dim3A_133 : vector<16xf32> to vector<1x16xf32>
      tpu.vector_store %arg7[%swap3A_135, %swap3A_136], %swap3A_139 {strides = array<i32>} : memref<2x128xf32, #tpu.memory_space<vmem>>, vector<1x16xf32>,
      %broadcast_in_dim3A_140 = arith.constant 0.000000e+00 : f32
      %broadcast_in_dim3A_141 = vector.broadcast %broadcast_in_dim3A_140 : f32 to vector<16xf32>
      %swap3A_142 = arith.constant 1 : i32
      %swap3A_143 = arith.index_cast %swap3A_142 : i32 to index
      %swap3A_144 = arith.constant 112 : index
      %swap3A_145 = tpu.vector_load %arg7[%swap3A_143, %swap3A_144] {strides = array<i32>} : memref<2x128xf32, #tpu.memory_space<vmem>>, vector<1x16xf32>,
      %swap3A_146 = vector.shape_cast %swap3A_145 : vector<1x16xf32> to vector<16xf32>
      %swap3A_147 = vector.shape_cast %broadcast_in_dim3A_141 : vector<16xf32> to vector<1x16xf32>
      tpu.vector_store %arg7[%swap3A_143, %swap3A_144], %swap3A_147 {strides = array<i32>} : memref<2x128xf32, #tpu.memory_space<vmem>>, vector<1x16xf32>,
      "tpu.region"() ({
        %run_scoped3A = tpu.sem_alloc : memref<!tpu.dma_semaphore, #tpu.memory_space<semaphore_mem>>
        tpu.enqueue_dma source(%arg7 : memref<2x128xf32, #tpu.memory_space<vmem>>) target(%arg8 : memref<2x128xf32, #tpu.memory_space<vmem_shared>>) target_semaphore(%run_scoped3A : memref<!tpu.dma_semaphore, #tpu.memory_space<semaphore_mem>>)
        tpu.wait_dma2 semaphore(%run_scoped3A : memref<!tpu.dma_semaphore, #tpu.memory_space<semaphore_mem>>) src(%arg7 : memref<2x128xf32, #tpu.memory_space<vmem>>) dst(%arg8 : memref<2x128xf32, #tpu.memory_space<vmem_shared>>)
        tpu.yield
      }) : () -> ()
    } else {
    }
    %dma_wait3A = tpu.memref_slice %arg2[%add3A] : memref<512xi32, #tpu.memory_space<hbm>> -> memref<16xi32, #tpu.memory_space<hbm>>
    %dma_wait3A_6 = tpu.memref_slice %arg2[%add3A] : memref<512xi32, #tpu.memory_space<hbm>> -> memref<16xi32, #tpu.memory_space<hbm>>
    tpu.wait_dma2 semaphore(%arg9 : memref<!tpu.dma_semaphore, #tpu.memory_space<semaphore_mem>>) src(%dma_wait3A_6 : memref<16xi32, #tpu.memory_space<hbm>>) dst(%arg5 : memref<16xi32, #tpu.memory_space<vmem>>)
    %get3A = arith.constant 0 : index
    %get3A_7 = tpu.vector_load %arg5[%get3A] {strides = array<i32>} : memref<16xi32, #tpu.memory_space<vmem>>, vector<16xi32>,
    %get3A_8 = vector.shape_cast %get3A_7 : vector<16xi32> to vector<16xi32>
    %lt3A = arith.constant 0 : i32
    %lt3A_9 = vector.broadcast %lt3A : i32 to vector<16xi32>
    %lt3A_10 = arith.cmpi slt, %get3A_8, %lt3A_9 : vector<16xi32>
    %jit3A = arith.constant 1 : i32
    %jit3A_11 = arith.constant 0 : i32
    %broadcast_in_dim3A = vector.broadcast %jit3A : i32 to vector<16xi32>
    %broadcast_in_dim3A_12 = vector.broadcast %jit3A_11 : i32 to vector<16xi32>
    %select_n3A = arith.select %lt3A_10, %broadcast_in_dim3A, %broadcast_in_dim3A_12 : vector<16xi1>, vector<16xi32>
    %max3A = arith.constant 0 : i32
    %max3A_13 = vector.broadcast %max3A : i32 to vector<16xi32>
    %max3A_14 = arith.maxsi %get3A_8, %max3A_13 : vector<16xi32>
    "tpu.region"() ({
      %run_scoped3A = tpu.sem_alloc : memref<!tpu.dma_semaphore, #tpu.memory_space<semaphore_mem>>
      %dma_start3A_21 = arith.constant 0 : i32
      %dma_start3A_22 = arith.constant 0 : i32
      %dma_start3A_23 = tpu.memref_slice %arg3[%dma_start3A_21, %dma_start3A_22] : memref<320000x128xf32, #tpu.memory_space<hbm>> -> memref<320000x128xf32, #tpu.memory_space<hbm>>
      tpu.enqueue_indirect_dma source(%dma_start3A_23 : memref<320000x128xf32, #tpu.memory_space<hbm>>) target(%arg6 : memref<16x128xf32, #tpu.memory_space<vmem>>) offsets(%max3A_14 : vector<16xi32>) semaphore(%run_scoped3A : memref<!tpu.dma_semaphore, #tpu.memory_space<semaphore_mem>>)
      %dma_wait3A_24 = arith.constant 0 : i32
      %dma_wait3A_25 = arith.constant 0 : i32
      %dma_wait3A_26 = tpu.memref_slice %arg3[%dma_wait3A_24, %dma_wait3A_25] : memref<320000x128xf32, #tpu.memory_space<hbm>> -> memref<320000x128xf32, #tpu.memory_space<hbm>>
      tpu.wait_indirect_dma semaphore(%run_scoped3A : memref<!tpu.dma_semaphore, #tpu.memory_space<semaphore_mem>>) src(%dma_wait3A_26 : memref<320000x128xf32, #tpu.memory_space<hbm>>) dst(%arg6 : memref<16x128xf32, #tpu.memory_space<vmem>>)
      tpu.yield
    }) : () -> ()
    %barrier3A = arith.constant 0 : index
    tpu.barrier barrier_id(%barrier3A)
    "tpu.region"() ({
      %run_scoped3A = tpu.sem_alloc : memref<!tpu.dma_semaphore, #tpu.memory_space<semaphore_mem>>
      %dma_start3A_21 = arith.constant 0 : i32
      %dma_start3A_22 = arith.constant 0 : i32
      %dma_start3A_23 = tpu.memref_slice %arg8[%dma_start3A_21, %dma_start3A_22] : memref<2x128xf32, #tpu.memory_space<vmem_shared>> -> memref<2x128xf32, #tpu.memory_space<vmem_shared>>
      tpu.enqueue_indirect_dma source(%arg6 : memref<16x128xf32, #tpu.memory_space<vmem>>) target(%dma_start3A_23 : memref<2x128xf32, #tpu.memory_space<vmem_shared>>) offsets(%select_n3A : vector<16xi32>) semaphore(%run_scoped3A : memref<!tpu.dma_semaphore, #tpu.memory_space<semaphore_mem>>) {add = true}
      %dma_wait3A_24 = arith.constant 0 : i32
      %dma_wait3A_25 = arith.constant 0 : i32
      %dma_wait3A_26 = tpu.memref_slice %arg8[%dma_wait3A_24, %dma_wait3A_25] : memref<2x128xf32, #tpu.memory_space<vmem_shared>> -> memref<2x128xf32, #tpu.memory_space<vmem_shared>>
      tpu.wait_indirect_dma semaphore(%run_scoped3A : memref<!tpu.dma_semaphore, #tpu.memory_space<semaphore_mem>>) src(%arg6 : memref<16x128xf32, #tpu.memory_space<vmem>>) dst(%dma_wait3A_26 : memref<2x128xf32, #tpu.memory_space<vmem_shared>>)
      tpu.yield
    }) : () -> ()
    %barrier3A_15 = arith.constant 0 : index
    tpu.barrier barrier_id(%barrier3A_15)
    %eq3A_16 = arith.constant 0 : i32
    %eq3A_17 = arith.cmpi eq, %arg1, %eq3A_16 : i32
    %convert_element_type3A_18 = arith.extui %eq3A_17 : i1 to i32
    %cond3A_19 = arith.constant 0 : i32
    %cond3A_20 = arith.cmpi ne, %convert_element_type3A_18, %cond3A_19 : i32
    scf.if %cond3A_20 {
      %mul3A_21 = arith.constant 128 : i32
      %mul3A_22 = arith.muli %arg0, %mul3A_21 : i32
      %run_scoped3A = arith.constant 0 : i32
      "tpu.region"() ({
        %run_scoped3A_23 = tpu.sem_alloc : memref<!tpu.dma_semaphore, #tpu.memory_space<semaphore_mem>>
        %dma_start3A_24 = tpu.memref_slice %arg4[%mul3A_22] : memref<256xf32, #tpu.memory_space<hbm>> -> memref<128xf32, #tpu.memory_space<hbm>>
        %dma_start3A_25 = arith.constant 0 : i32
        %dma_start3A_26 = tpu.memref_slice %arg8[%run_scoped3A, %dma_start3A_25] : memref<2x128xf32, #tpu.memory_space<vmem_shared>> -> memref<1x128xf32, #tpu.memory_space<vmem_shared>>
        %dma_start3A_27 = tpu.memref_squeeze %dma_start3A_26 : memref<1x128xf32, #tpu.memory_space<vmem_shared>> -> memref<128xf32, #tpu.memory_space<vmem_shared>>
        tpu.enqueue_dma source(%dma_start3A_27 : memref<128xf32, #tpu.memory_space<vmem_shared>>) target(%dma_start3A_24 : memref<128xf32, #tpu.memory_space<hbm>>) target_semaphore(%run_scoped3A_23 : memref<!tpu.dma_semaphore, #tpu.memory_space<semaphore_mem>>)
        %dma_wait3A_28 = tpu.memref_slice %arg4[%mul3A_22] : memref<256xf32, #tpu.memory_space<hbm>> -> memref<128xf32, #tpu.memory_space<hbm>>
        %dma_wait3A_29 = arith.constant 0 : i32
        %dma_wait3A_30 = tpu.memref_slice %arg8[%run_scoped3A, %dma_wait3A_29] : memref<2x128xf32, #tpu.memory_space<vmem_shared>> -> memref<1x128xf32, #tpu.memory_space<vmem_shared>>
        %dma_wait3A_31 = tpu.memref_squeeze %dma_wait3A_30 : memref<1x128xf32, #tpu.memory_space<vmem_shared>> -> memref<128xf32, #tpu.memory_space<vmem_shared>>
        tpu.wait_dma2 semaphore(%run_scoped3A_23 : memref<!tpu.dma_semaphore, #tpu.memory_space<semaphore_mem>>) src(%dma_wait3A_31 : memref<128xf32, #tpu.memory_space<vmem_shared>>) dst(%dma_wait3A_28 : memref<128xf32, #tpu.memory_space<hbm>>)
        tpu.yield
      }) : () -> ()
    } else {
    }
    return
  }
}

module attributes {stable_mosaic.version = 14 : i64} {
  func.func @_tc_mlp_body(%arg0: memref<256xf32, #tpu.memory_space<vmem>>, %arg1: memref<2x128xf32, #tpu.memory_space<vmem>>, %arg2: memref<1x128xf32, #tpu.memory_space<vmem>>, %arg3: memref<128x256xf32, #tpu.memory_space<vmem>>, %arg4: memref<1x256xf32, #tpu.memory_space<vmem>>, %arg5: memref<256x256xf32, #tpu.memory_space<vmem>>, %arg6: memref<1x256xf32, #tpu.memory_space<vmem>>, %arg7: memref<1024x128xf32, #tpu.memory_space<vmem>>, %arg8: memref<1x128xf32, #tpu.memory_space<vmem>>) attributes {dimension_semantics = [], scalar_prefetch = 0 : i64, scratch_operands = 0 : i64, tpu.core_type = #tpu.core_type<tc>} {
    %get3A = arith.constant 0 : index
    %get3A_0 = arith.constant 0 : index
    %get3A_1 = vector.load %arg1[%get3A, %get3A_0] : memref<2x128xf32, #tpu.memory_space<vmem>>, vector<2x128xf32>
    %get3A_2 = arith.constant 0 : index
    %get3A_3 = vector.load %arg0[%get3A_2] : memref<256xf32, #tpu.memory_space<vmem>>, vector<256xf32>
    %reshape3A = vector.shape_cast %get3A_3 : vector<256xf32> to vector<2x128xf32>
    %max3A = arith.constant 1.000000e+00 : f32
    %max3A_4 = vector.broadcast %max3A : f32 to vector<2x128xf32>
    %max3A_5 = arith.maximumf %get3A_1, %max3A_4 : vector<2x128xf32>
    %div3A = arith.divf %reshape3A, %max3A_5 : vector<2x128xf32>
    %get3A_6 = arith.constant 0 : index
    %get3A_7 = arith.constant 0 : index
    %get3A_8 = vector.load %arg3[%get3A_6, %get3A_7] : memref<128x256xf32, #tpu.memory_space<vmem>>, vector<128x256xf32>
    %dot_general3A = arith.constant dense<0.000000e+00> : vector<2x256xf32>
    %dot_general3A_9 = tpu.matmul %div3A, %get3A_8, %dot_general3A {dimension_numbers = #tpu.dot_dimension_numbers<[1], [0], [0], [1], [0, 0, 1, 1], [], []>, transpose_lhs_hint = false} : vector<2x128xf32>, vector<128x256xf32>, vector<2x256xf32> -> vector<2x256xf32>
    %get3A_10 = arith.constant 0 : index
    %get3A_11 = arith.constant 0 : index
    %get3A_12 = vector.load %arg4[%get3A_10, %get3A_11] : memref<1x256xf32, #tpu.memory_space<vmem>>, vector<1x256xf32>
    %add3A = vector.broadcast %get3A_12 : vector<1x256xf32> to vector<2x256xf32>
    %add3A_13 = arith.addf %dot_general3A_9, %add3A : vector<2x256xf32>
    %max3A_14 = arith.constant 0.000000e+00 : f32
    %max3A_15 = vector.broadcast %max3A_14 : f32 to vector<2x256xf32>
    %max3A_16 = arith.maximumf %add3A_13, %max3A_15 : vector<2x256xf32>
    %get3A_17 = arith.constant 0 : index
    %get3A_18 = arith.constant 0 : index
    %get3A_19 = vector.load %arg5[%get3A_17, %get3A_18] : memref<256x256xf32, #tpu.memory_space<vmem>>, vector<256x256xf32>
    %dot_general3A_20 = arith.constant dense<0.000000e+00> : vector<2x256xf32>
    %dot_general3A_21 = tpu.matmul %max3A_16, %get3A_19, %dot_general3A_20 {dimension_numbers = #tpu.dot_dimension_numbers<[1], [0], [0], [1], [0, 0, 1, 1], [], []>, transpose_lhs_hint = false} : vector<2x256xf32>, vector<256x256xf32>, vector<2x256xf32> -> vector<2x256xf32>
    %get3A_22 = arith.constant 0 : index
    %get3A_23 = arith.constant 0 : index
    %get3A_24 = vector.load %arg6[%get3A_22, %get3A_23] : memref<1x256xf32, #tpu.memory_space<vmem>>, vector<1x256xf32>
    %add3A_25 = vector.broadcast %get3A_24 : vector<1x256xf32> to vector<2x256xf32>
    %add3A_26 = arith.addf %dot_general3A_21, %add3A_25 : vector<2x256xf32>
    %slice3A = vector.extract_strided_slice %get3A_1 {offsets = [0, 0], sizes = [2, 1], strides = [1, 1]} : vector<2x128xf32> to vector<2x1xf32>
    %gt3A = arith.constant 0.000000e+00 : f32
    %gt3A_27 = vector.broadcast %gt3A : f32 to vector<2x1xf32>
    %gt3A_28 = arith.cmpf ogt, %slice3A, %gt3A_27 : vector<2x1xf32>
    %jit3A = arith.constant 0.000000e+00 : f32
    %broadcast_in_dim3A = vector.shape_cast %gt3A_28 : vector<2x1xi1> to vector<2x1xi1>
    %broadcast_in_dim3A_29 = vector.broadcast %broadcast_in_dim3A : vector<2x1xi1> to vector<2x256xi1>
    %broadcast_in_dim3A_30 = vector.broadcast %jit3A : f32 to vector<2x256xf32>
    %select_n3A = arith.select %broadcast_in_dim3A_29, %add3A_26, %broadcast_in_dim3A_30 : vector<2x256xi1>, vector<2x256xf32>
    %get3A_31 = arith.constant 0 : index
    %get3A_32 = arith.constant 0 : index
    %get3A_33 = vector.load %arg7[%get3A_31, %get3A_32] : memref<1024x128xf32, #tpu.memory_space<vmem>>, vector<1024x128xf32>
    %get3A_34 = arith.constant 0 : index
    %get3A_35 = arith.constant 0 : index
    %get3A_36 = vector.load %arg2[%get3A_34, %get3A_35] : memref<1x128xf32, #tpu.memory_space<vmem>>, vector<1x128xf32>
    %slice3A_37 = vector.extract_strided_slice %select_n3A {offsets = [0, 0], sizes = [1, 256], strides = [1, 1]} : vector<2x256xf32> to vector<1x256xf32>
    %slice3A_38 = vector.extract_strided_slice %get3A_33 {offsets = [256, 0], sizes = [256, 128], strides = [1, 1]} : vector<1024x128xf32> to vector<256x128xf32>
    %dot_general3A_39 = arith.constant dense<0.000000e+00> : vector<1x128xf32>
    %dot_general3A_40 = tpu.matmul %slice3A_37, %slice3A_38, %dot_general3A_39 {dimension_numbers = #tpu.dot_dimension_numbers<[1], [0], [0], [1], [0, 0, 1, 1], [], []>, transpose_lhs_hint = false} : vector<1x256xf32>, vector<256x128xf32>, vector<1x128xf32> -> vector<1x128xf32>
    %add3A_41 = arith.addf %get3A_36, %dot_general3A_40 : vector<1x128xf32>
    %slice3A_42 = vector.extract_strided_slice %select_n3A {offsets = [1, 0], sizes = [1, 256], strides = [1, 1]} : vector<2x256xf32> to vector<1x256xf32>
    %slice3A_43 = vector.extract_strided_slice %get3A_33 {offsets = [768, 0], sizes = [256, 128], strides = [1, 1]} : vector<1024x128xf32> to vector<256x128xf32>
    %dot_general3A_44 = arith.constant dense<0.000000e+00> : vector<1x128xf32>
    %dot_general3A_45 = tpu.matmul %slice3A_42, %slice3A_43, %dot_general3A_44 {dimension_numbers = #tpu.dot_dimension_numbers<[1], [0], [0], [1], [0, 0, 1, 1], [], []>, transpose_lhs_hint = false} : vector<1x256xf32>, vector<256x128xf32>, vector<1x128xf32> -> vector<1x128xf32>
    %add3A_46 = arith.addf %add3A_41, %dot_general3A_45 : vector<1x128xf32>
    %swap3A = arith.constant 0 : index
    %swap3A_47 = arith.constant 0 : index
    %swap3A_48 = vector.load %arg8[%swap3A, %swap3A_47] : memref<1x128xf32, #tpu.memory_space<vmem>>, vector<1x128xf32>
    tpu.vector_store %arg8[%swap3A, %swap3A_47], %add3A_46 {strides = array<i32>} : memref<1x128xf32, #tpu.memory_space<vmem>>, vector<1x128xf32>,
    return
  }
}

module attributes {stable_mosaic.version = 14 : i64} {
  func.func @_tc_prep_body(%arg0: i32, %arg1: memref<2xi32, #tpu.memory_space<smem>>, %arg2: memref<2xf32, #tpu.memory_space<smem>>, %arg3: memref<1x1x256xf32, #tpu.memory_space<vmem>>, %arg4: memref<1x1x256xf32, #tpu.memory_space<vmem>>, %arg5: memref<1x1x200xf32, #tpu.memory_space<vmem>>, %arg6: memref<1x1x200xf32, #tpu.memory_space<vmem>>, %arg7: memref<1x1x200xi32, #tpu.memory_space<vmem>>, %arg8: memref<1x1x200xi32, #tpu.memory_space<vmem>>, %arg9: memref<1024x128xf32, #tpu.memory_space<vmem>>, %arg10: memref<1x128xf32, #tpu.memory_space<vmem>>, %arg11: memref<512xi32, #tpu.memory_space<vmem>>, %arg12: memref<2x128xf32, #tpu.memory_space<vmem>>, %arg13: memref<1x128xf32, #tpu.memory_space<vmem>>) attributes {dimension_semantics = [#tpu.dimension_semantics<arbitrary>], iteration_bounds = array<i64: 1>, scalar_prefetch = 2 : i64, scratch_operands = 0 : i64, tpu.core_type = #tpu.core_type<tc>, window_params = [{transform_indices = @transform_0, window_bounds = array<i64: 1, 1, 256>}, {transform_indices = @transform_1, window_bounds = array<i64: 1, 1, 256>}, {transform_indices = @transform_2, window_bounds = array<i64: 1, 1, 200>}, {transform_indices = @transform_3, window_bounds = array<i64: 1, 1, 200>}, {transform_indices = @transform_4, window_bounds = array<i64: 1, 1, 200>}, {transform_indices = @transform_5, window_bounds = array<i64: 1, 1, 200>}, {pipeline_mode = #tpu.pipeline_mode<synchronous>, transform_indices = @transform_6, window_bounds = array<i64: 1024, 128>}, {pipeline_mode = #tpu.pipeline_mode<synchronous>, transform_indices = @transform_7, window_bounds = array<i64: 1, 128>}, {pipeline_mode = #tpu.pipeline_mode<synchronous>, transform_indices = @transform_8, window_bounds = array<i64: 512>}, {pipeline_mode = #tpu.pipeline_mode<synchronous>, transform_indices = @transform_9, window_bounds = array<i64: 2, 128>}, {pipeline_mode = #tpu.pipeline_mode<synchronous>, transform_indices = @transform_10, window_bounds = array<i64: 1, 128>}]} {
    %get3A = arith.constant 0 : index
    %get3A_0 = memref.load %arg2[%get3A] : memref<2xf32, #tpu.memory_space<smem>>
    %get3A_1 = arith.constant 1 : index
    %get3A_2 = memref.load %arg2[%get3A_1] : memref<2xf32, #tpu.memory_space<smem>>
    %broadcast_in_dim3A = arith.constant 0 : i32
    %broadcast_in_dim3A_3 = vector.broadcast %broadcast_in_dim3A : i32 to vector<1x56xi32>
    %broadcast_in_dim3A_4 = arith.constant 0.000000e+00 : f32
    %broadcast_in_dim3A_5 = vector.broadcast %broadcast_in_dim3A_4 : f32 to vector<1x56xf32>
    %get3A_6 = arith.constant 0 : index
    %get3A_7 = arith.constant 0 : index
    %get3A_8 = arith.constant 0 : index
    %get3A_9 = vector.load %arg5[%get3A_6, %get3A_7, %get3A_8] : memref<1x1x200xf32, #tpu.memory_space<vmem>>, vector<1x1x200xf32>
    %get3A_10 = vector.shape_cast %get3A_9 : vector<1x1x200xf32> to vector<1x200xf32>
    %ge3A = vector.broadcast %get3A_2 : f32 to vector<1x200xf32>
    %ge3A_11 = arith.cmpf oge, %get3A_10, %ge3A : vector<1x200xf32>
    %le3A = vector.broadcast %get3A_0 : f32 to vector<1x200xf32>
    %le3A_12 = arith.cmpf ole, %get3A_10, %le3A : vector<1x200xf32>
    %and3A = arith.andi %ge3A_11, %le3A_12 : vector<1x200xi1>
    %convert_element_type3A = arith.extui %and3A : vector<1x200xi1> to vector<1x200xi32>
    %convert_element_type3A_13 = arith.sitofp %convert_element_type3A : vector<1x200xi32> to vector<1x200xf32>
    %reduce_sum3A = vector.shape_cast %convert_element_type3A_13 : vector<1x200xf32> to vector<1x1x200xf32>
    %reduce_sum3A_14 = arith.constant dense<0.000000e+00> : vector<1xf32>
    %reduce_sum3A_15 = vector.multi_reduction <add>, %reduce_sum3A, %reduce_sum3A_14 [1, 2] : vector<1x1x200xf32> to vector<1xf32>
    %reduce_sum3A_16 = vector.shape_cast %reduce_sum3A_15 : vector<1xf32> to vector<1x1x1xf32>
    %reduce_sum3A_17 = vector.extract %reduce_sum3A_16[0, 0, 0] : f32 from vector<1x1x1xf32>
    %concatenate3A = tpu.concatenate %convert_element_type3A_13, %broadcast_in_dim3A_5 in 1 : vector<1x200xf32>, vector<1x56xf32> -> vector<1x256xf32>
    %get3A_18 = arith.constant 0 : index
    %get3A_19 = arith.constant 0 : index
    %get3A_20 = arith.constant 0 : index
    %get3A_21 = vector.load %arg7[%get3A_18, %get3A_19, %get3A_20] : memref<1x1x200xi32, #tpu.memory_space<vmem>>, vector<1x1x200xi32>
    %get3A_22 = vector.shape_cast %get3A_21 : vector<1x1x200xi32> to vector<1x200xi32>
    %concatenate3A_23 = tpu.concatenate %get3A_22, %broadcast_in_dim3A_3 in 1 : vector<1x200xi32>, vector<1x56xi32> -> vector<1x256xi32>
    %gt3A = arith.constant 0.000000e+00 : f32
    %gt3A_24 = vector.broadcast %gt3A : f32 to vector<1x256xf32>
    %gt3A_25 = arith.cmpf ogt, %concatenate3A, %gt3A_24 : vector<1x256xf32>
    %jit3A = arith.constant -1 : i32
    %broadcast_in_dim3A_26 = vector.broadcast %jit3A : i32 to vector<1x256xi32>
    %select_n3A = arith.select %gt3A_25, %concatenate3A_23, %broadcast_in_dim3A_26 : vector<1x256xi1>, vector<1x256xi32>
    %get3A_27 = arith.constant 0 : index
    %get3A_28 = arith.constant 0 : index
    %get3A_29 = arith.constant 0 : index
    %get3A_30 = vector.load %arg6[%get3A_27, %get3A_28, %get3A_29] : memref<1x1x200xf32, #tpu.memory_space<vmem>>, vector<1x1x200xf32>
    %get3A_31 = vector.shape_cast %get3A_30 : vector<1x1x200xf32> to vector<1x200xf32>
    %ge3A_32 = vector.broadcast %get3A_2 : f32 to vector<1x200xf32>
    %ge3A_33 = arith.cmpf oge, %get3A_31, %ge3A_32 : vector<1x200xf32>
    %le3A_34 = vector.broadcast %get3A_0 : f32 to vector<1x200xf32>
    %le3A_35 = arith.cmpf ole, %get3A_31, %le3A_34 : vector<1x200xf32>
    %and3A_36 = arith.andi %ge3A_33, %le3A_35 : vector<1x200xi1>
    %convert_element_type3A_37 = arith.extui %and3A_36 : vector<1x200xi1> to vector<1x200xi32>
    %convert_element_type3A_38 = arith.sitofp %convert_element_type3A_37 : vector<1x200xi32> to vector<1x200xf32>
    %reduce_sum3A_39 = vector.shape_cast %convert_element_type3A_38 : vector<1x200xf32> to vector<1x1x200xf32>
    %reduce_sum3A_40 = arith.constant dense<0.000000e+00> : vector<1xf32>
    %reduce_sum3A_41 = vector.multi_reduction <add>, %reduce_sum3A_39, %reduce_sum3A_40 [1, 2] : vector<1x1x200xf32> to vector<1xf32>
    %reduce_sum3A_42 = vector.shape_cast %reduce_sum3A_41 : vector<1xf32> to vector<1x1x1xf32>
    %reduce_sum3A_43 = vector.extract %reduce_sum3A_42[0, 0, 0] : f32 from vector<1x1x1xf32>
    %concatenate3A_44 = tpu.concatenate %convert_element_type3A_38, %broadcast_in_dim3A_5 in 1 : vector<1x200xf32>, vector<1x56xf32> -> vector<1x256xf32>
    %get3A_45 = arith.constant 0 : index
    %get3A_46 = arith.constant 0 : index
    %get3A_47 = arith.constant 0 : index
    %get3A_48 = vector.load %arg8[%get3A_45, %get3A_46, %get3A_47] : memref<1x1x200xi32, #tpu.memory_space<vmem>>, vector<1x1x200xi32>
    %get3A_49 = vector.shape_cast %get3A_48 : vector<1x1x200xi32> to vector<1x200xi32>
    %concatenate3A_50 = tpu.concatenate %get3A_49, %broadcast_in_dim3A_3 in 1 : vector<1x200xi32>, vector<1x56xi32> -> vector<1x256xi32>
    %gt3A_51 = arith.constant 0.000000e+00 : f32
    %gt3A_52 = vector.broadcast %gt3A_51 : f32 to vector<1x256xf32>
    %gt3A_53 = arith.cmpf ogt, %concatenate3A_44, %gt3A_52 : vector<1x256xf32>
    %jit3A_54 = arith.constant -1 : i32
    %broadcast_in_dim3A_55 = vector.broadcast %jit3A_54 : i32 to vector<1x256xi32>
    %select_n3A_56 = arith.select %gt3A_53, %concatenate3A_50, %broadcast_in_dim3A_55 : vector<1x256xi1>, vector<1x256xi32>
    %concatenate3A_57 = tpu.concatenate %select_n3A, %select_n3A_56 in 0 : vector<1x256xi32>, vector<1x256xi32> -> vector<2x256xi32>
    %reshape3A = vector.shape_cast %concatenate3A_57 : vector<2x256xi32> to vector<512xi32>
    %swap3A = arith.constant 0 : index
    %swap3A_58 = vector.load %arg11[%swap3A] : memref<512xi32, #tpu.memory_space<vmem>>, vector<512xi32>
    tpu.vector_store %arg11[%swap3A], %reshape3A {strides = array<i32>} : memref<512xi32, #tpu.memory_space<vmem>>, vector<512xi32>,
    %broadcast_in_dim3A_59 = vector.broadcast %reduce_sum3A_17 : f32 to vector<1x128xf32>
    %broadcast_in_dim3A_60 = vector.broadcast %reduce_sum3A_43 : f32 to vector<1x128xf32>
    %concatenate3A_61 = tpu.concatenate %broadcast_in_dim3A_59, %broadcast_in_dim3A_60 in 0 : vector<1x128xf32>, vector<1x128xf32> -> vector<2x128xf32>
    %swap3A_62 = arith.constant 0 : index
    %swap3A_63 = arith.constant 0 : index
    %swap3A_64 = vector.load %arg12[%swap3A_62, %swap3A_63] : memref<2x128xf32, #tpu.memory_space<vmem>>, vector<2x128xf32>
    tpu.vector_store %arg12[%swap3A_62, %swap3A_63], %concatenate3A_61 {strides = array<i32>} : memref<2x128xf32, #tpu.memory_space<vmem>>, vector<2x128xf32>,
    %get3A_65 = arith.constant 0 : index
    %get3A_66 = arith.constant 0 : index
    %get3A_67 = vector.load %arg9[%get3A_65, %get3A_66] : memref<1024x128xf32, #tpu.memory_space<vmem>>, vector<1024x128xf32>
    %get3A_68 = arith.constant 0 : index
    %get3A_69 = arith.constant 0 : index
    %get3A_70 = arith.constant 0 : index
    %get3A_71 = vector.load %arg3[%get3A_68, %get3A_69, %get3A_70] : memref<1x1x256xf32, #tpu.memory_space<vmem>>, vector<1x1x256xf32>
    %get3A_72 = vector.shape_cast %get3A_71 : vector<1x1x256xf32> to vector<1x256xf32>
    %slice3A = vector.extract_strided_slice %get3A_67 {offsets = [0, 0], sizes = [256, 128], strides = [1, 1]} : vector<1024x128xf32> to vector<256x128xf32>
    %dot_general3A = arith.constant dense<0.000000e+00> : vector<1x128xf32>
    %dot_general3A_73 = tpu.matmul %get3A_72, %slice3A, %dot_general3A {dimension_numbers = #tpu.dot_dimension_numbers<[1], [0], [0], [1], [0, 0, 1, 1], [], []>, transpose_lhs_hint = false} : vector<1x256xf32>, vector<256x128xf32>, vector<1x128xf32> -> vector<1x128xf32>
    %get3A_74 = arith.constant 0 : index
    %get3A_75 = arith.constant 0 : index
    %get3A_76 = arith.constant 0 : index
    %get3A_77 = vector.load %arg4[%get3A_74, %get3A_75, %get3A_76] : memref<1x1x256xf32, #tpu.memory_space<vmem>>, vector<1x1x256xf32>
    %get3A_78 = vector.shape_cast %get3A_77 : vector<1x1x256xf32> to vector<1x256xf32>
    %slice3A_79 = vector.extract_strided_slice %get3A_67 {offsets = [512, 0], sizes = [256, 128], strides = [1, 1]} : vector<1024x128xf32> to vector<256x128xf32>
    %dot_general3A_80 = arith.constant dense<0.000000e+00> : vector<1x128xf32>
    %dot_general3A_81 = tpu.matmul %get3A_78, %slice3A_79, %dot_general3A_80 {dimension_numbers = #tpu.dot_dimension_numbers<[1], [0], [0], [1], [0, 0, 1, 1], [], []>, transpose_lhs_hint = false} : vector<1x256xf32>, vector<256x128xf32>, vector<1x128xf32> -> vector<1x128xf32>
    %add3A = arith.addf %dot_general3A_73, %dot_general3A_81 : vector<1x128xf32>
    %get3A_82 = arith.constant 0 : index
    %get3A_83 = arith.constant 0 : index
    %get3A_84 = vector.load %arg10[%get3A_82, %get3A_83] : memref<1x128xf32, #tpu.memory_space<vmem>>, vector<1x128xf32>
    %add3A_85 = arith.addf %add3A, %get3A_84 : vector<1x128xf32>
    %swap3A_86 = arith.constant 0 : index
    %swap3A_87 = arith.constant 0 : index
    %swap3A_88 = vector.load %arg13[%swap3A_86, %swap3A_87] : memref<1x128xf32, #tpu.memory_space<vmem>>, vector<1x128xf32>
    tpu.vector_store %arg13[%swap3A_86, %swap3A_87], %add3A_85 {strides = array<i32>} : memref<1x128xf32, #tpu.memory_space<vmem>>, vector<1x128xf32>,
    return
  }
  func.func @transform_0(%arg0: i32, %arg1: memref<2xi32, #tpu.memory_space<smem>>, %arg2: memref<2xf32, #tpu.memory_space<smem>>) -> (i32, i32, i32) {
    %get3A = arith.constant 0 : index
    %get3A_0 = memref.load %arg1[%get3A] : memref<2xi32, #tpu.memory_space<smem>>
    %c0_i32 = arith.constant 0 : i32
    %c0_i32_1 = arith.constant 0 : i32
    %c0_i32_2 = arith.constant 0 : i32
    return %get3A_0, %c0_i32, %c0_i32_1 : i32, i32, i32
  }
  func.func @transform_1(%arg0: i32, %arg1: memref<2xi32, #tpu.memory_space<smem>>, %arg2: memref<2xf32, #tpu.memory_space<smem>>) -> (i32, i32, i32) {
    %get3A = arith.constant 1 : index
    %get3A_0 = memref.load %arg1[%get3A] : memref<2xi32, #tpu.memory_space<smem>>
    %c0_i32 = arith.constant 0 : i32
    %c0_i32_1 = arith.constant 0 : i32
    %c0_i32_2 = arith.constant 0 : i32
    return %get3A_0, %c0_i32, %c0_i32_1 : i32, i32, i32
  }
  func.func @transform_2(%arg0: i32, %arg1: memref<2xi32, #tpu.memory_space<smem>>, %arg2: memref<2xf32, #tpu.memory_space<smem>>) -> (i32, i32, i32) {
    %get3A = arith.constant 0 : index
    %get3A_0 = memref.load %arg1[%get3A] : memref<2xi32, #tpu.memory_space<smem>>
    %c0_i32 = arith.constant 0 : i32
    %c0_i32_1 = arith.constant 0 : i32
    %c0_i32_2 = arith.constant 0 : i32
    return %get3A_0, %c0_i32, %c0_i32_1 : i32, i32, i32
  }
  func.func @transform_3(%arg0: i32, %arg1: memref<2xi32, #tpu.memory_space<smem>>, %arg2: memref<2xf32, #tpu.memory_space<smem>>) -> (i32, i32, i32) {
    %get3A = arith.constant 1 : index
    %get3A_0 = memref.load %arg1[%get3A] : memref<2xi32, #tpu.memory_space<smem>>
    %c0_i32 = arith.constant 0 : i32
    %c0_i32_1 = arith.constant 0 : i32
    %c0_i32_2 = arith.constant 0 : i32
    return %get3A_0, %c0_i32, %c0_i32_1 : i32, i32, i32
  }
  func.func @transform_4(%arg0: i32, %arg1: memref<2xi32, #tpu.memory_space<smem>>, %arg2: memref<2xf32, #tpu.memory_space<smem>>) -> (i32, i32, i32) {
    %get3A = arith.constant 0 : index
    %get3A_0 = memref.load %arg1[%get3A] : memref<2xi32, #tpu.memory_space<smem>>
    %c0_i32 = arith.constant 0 : i32
    %c0_i32_1 = arith.constant 0 : i32
    %c0_i32_2 = arith.constant 0 : i32
    return %get3A_0, %c0_i32, %c0_i32_1 : i32, i32, i32
  }
  func.func @transform_5(%arg0: i32, %arg1: memref<2xi32, #tpu.memory_space<smem>>, %arg2: memref<2xf32, #tpu.memory_space<smem>>) -> (i32, i32, i32) {
    %get3A = arith.constant 1 : index
    %get3A_0 = memref.load %arg1[%get3A] : memref<2xi32, #tpu.memory_space<smem>>
    %c0_i32 = arith.constant 0 : i32
    %c0_i32_1 = arith.constant 0 : i32
    %c0_i32_2 = arith.constant 0 : i32
    return %get3A_0, %c0_i32, %c0_i32_1 : i32, i32, i32
  }
  func.func @transform_6(%arg0: i32, %arg1: memref<2xi32, #tpu.memory_space<smem>>, %arg2: memref<2xf32, #tpu.memory_space<smem>>) -> (i32, i32) {
    %c0_i32 = arith.constant 0 : i32
    %c0_i32_0 = arith.constant 0 : i32
    %c0_i32_1 = arith.constant 0 : i32
    return %c0_i32, %c0_i32_0 : i32, i32
  }
  func.func @transform_7(%arg0: i32, %arg1: memref<2xi32, #tpu.memory_space<smem>>, %arg2: memref<2xf32, #tpu.memory_space<smem>>) -> (i32, i32) {
    %c0_i32 = arith.constant 0 : i32
    %c0_i32_0 = arith.constant 0 : i32
    %c0_i32_1 = arith.constant 0 : i32
    return %c0_i32, %c0_i32_0 : i32, i32
  }
  func.func @transform_8(%arg0: i32, %arg1: memref<2xi32, #tpu.memory_space<smem>>, %arg2: memref<2xf32, #tpu.memory_space<smem>>) -> i32 {
    %c0_i32 = arith.constant 0 : i32
    %c0_i32_0 = arith.constant 0 : i32
    return %c0_i32 : i32
  }
  func.func @transform_9(%arg0: i32, %arg1: memref<2xi32, #tpu.memory_space<smem>>, %arg2: memref<2xf32, #tpu.memory_space<smem>>) -> (i32, i32) {
    %c0_i32 = arith.constant 0 : i32
    %c0_i32_0 = arith.constant 0 : i32
    %c0_i32_1 = arith.constant 0 : i32
    return %c0_i32, %c0_i32_0 : i32, i32
  }
  func.func @transform_10(%arg0: i32, %arg1: memref<2xi32, #tpu.memory_space<smem>>, %arg2: memref<2xf32, #tpu.memory_space<smem>>) -> (i32, i32) {
    %c0_i32 = arith.constant 0 : i32
    %c0_i32_0 = arith.constant 0 : i32
    %c0_i32_1 = arith.constant 0 : i32
    return %c0_i32, %c0_i32_0 : i32, i32
  }
}

</mosaic_0001>

<sc_bundles>
// kernel: kernel.5.cloned.1.call-start
scs
__scs_entry_jumppad:
0x0: {  	(pc) =	sbr.rel $0x88, $3  }
0x1: {  	(tag) =	ssettag $0x0;
	lr =	simm.s32 $0x1  }
0x2: {  	[smem:$0x3F93] =	sst lr;
	_ =	strace $0xD0000000  }
0x3: {  	_ = 	snop  }
0x4: {  	_ = 	snop  }
0x5: {  	_ = 	snop  }
0x6: {  	_ = 	snop  }
0x7: {  	_ = 	snop  }
__scs_overlays_trampoline_lowered:
0x8: {  	[smem:$0x3FA2] =	sst s0  }
0x9: {  	[smem:$0x3FA3] =	sst s1  }
0xa: {  	[smem:$0x3FA4] =	sst s2  }
0xb: {  	[smem:$0x3FA5] =	sst s3  }
0xc: {  	[smem:$0x3FA6] =	sst s4  }
0xd: {  	[smem:$0x3FA7] =	sst s5  }
0xe: {  	[smem:$0x3FA8] =	sst s6  }
0xf: {  	[smem:$0x3FA9] =	sst s7  }
0x10: {  	[smem:$0x3FAA] =	sst s8  }
0x11: {  	[smem:$0x3FAB] =	sst s9;
	s0 =	simm.s32 @!p0 $0x0  }
0x12: {  	s1 =	sld [smem:$0x3F91];
	s0 =	simm.s32 @p0 $0x1  }
0x13: {  	[smem:$0x3FAC] =	sst s0;
	s0 =	simm.s32 @!p1 $0x0  }
0x14: {  	s2 =	sld [smem:$0x3F90];
	s0 =	simm.s32 @p1 $0x1  }
0x15: {  	[smem:$0x3FAD] =	sst s0;
	s0 =	simm.s32 @!p2 $0x0  }
0x16: {  	s3 =	sld [smem:$0x3FDB];
	s0 =	simm.s32 @p2 $0x1  }
0x17: {  	s4 =	simm.s32 $0x1BF5;
	[smem:$0x3FAF] =	sst s0  }
0x18: {  	s0 =	sld [smem:$0x3F92];
	_ =	swait.ge [sflag:s4], $0x0  }
0x19: {  	s7 =	sld [smem:$0x3F93]  }
0x1a: {  	s8 =	sadd.s32 $0xFFFFE003, lr  }
0x1b: {  	s9 =	sadd.s32 $0xFFFFFEF7, lr;
	s5 =	simm.s32 $0xFFFFFFFF;
	p2 =	slt.u32 s8, $0xFFFFF086  }
0x1c: {  	p1 =	slt.u32 s9, $0xF7A;
	s5 =	simm.s32 @!p2 $0x0  }
0x1d: {  	s5 =	simm.s32 @p1 $0x1;
	p0 =	seq.s32 s7, s2  }
0x1e: {  	s7 =	smul.u32 @!p0 $0xF7A, s2;
	p2 =	seq.s32 @!p0 s5, $0x0  }
0x1f: {  	s9 =	smul.u32 $0xF7A, s1;
	s8 =	simm.s32 @!p0 $0x1BF5;
	p2 =	por !p2, p0  }
0x20: {  	[sflag:s8] =	ssyncset.s32 @!p0 $0xFFFFF086;
	s6 =	sadd.s32 @!p0 s3, s7;
	s7 =	simm.s32 @!p0 $0x108  }
0x21: {  	s3 =	sadd.s32 s3, s9;
	s6 =	sadd.s32 @!p0 $0x88, s6;
	s7 =	simm.s32 @p2 $0x1082  }
0x22: {  	[simem:s7], [sflag:s8] =	dma.local @!p0 [hbm:s6], $0xF7A  }
0x23: {  	s9 =	sor.u32 $0xD0000000, s2;
	s6 =	simm.s32 $0x108;
	_ =	swait.ge @!p0 [sflag:s8], $0x0  }
0x24: {  	s3 =	sadd.s32 $0x88, s3;
	s6 =	simm.s32 @!p1 $0x1082;
	[sflag:s4] =	ssyncset.s32 $0xFFFFF086  }
0x25: {  	[simem:s6], [sflag:s4] =	dma.local [hbm:s3], $0xF7A  }
0x26: {  	[smem:$0x3F93] =	sst s1;
	(tag) =	ssettag s2;
	_ =	strace s9  }
0x27: {  	s1 =	sld [smem:$0x3FA3]  }
0x28: {  	s2 =	sld [smem:$0x3FA4]  }
0x29: {  	s4 =	sld [smem:$0x3FA6]  }
0x2a: {  	p0 =	seq.s32 s5, $0x0;
	s5 =	sld [smem:$0x3FA7]  }
0x2b: {  	s6 =	sld [smem:$0x3FA8]  }
0x2c: {  	s7 =	sld [smem:$0x3FA9]  }
0x2d: {  	s3 =	simm.s32 $0x108;
	s8 =	sld [smem:$0x3FAA]  }
0x2e: {  	s3 =	simm.s32 @!p0 $0x1082;
	s9 =	sld [smem:$0x3FAB]  }
0x2f: {  	lr =	sadd.s32 s0, s3;
	s0 =	sld [smem:$0x3FA2]  }
0x30: {  	s3 =	sld [smem:$0x3FA5]  }
0x31: {  	[smem:$0x3FAE] =	sst s10  }
0x32: {  	s10 =	sld [smem:$0x3FAC];
	_ =	sdelay $0x3  }
0x33: {  	p0 =	seq.s32 s10, $0x1;
	s10 =	sld [smem:$0x3FAE];
	_ =	sdelay $0x3  }
0x34: {  	[smem:$0x3FAE] =	sst s10  }
0x35: {  	s10 =	sld [smem:$0x3FAD];
	_ =	sdelay $0x3  }
0x36: {  	p1 =	seq.s32 s10, $0x1;
	s10 =	sld [smem:$0x3FAE];
	_ =	sdelay $0x3  }
0x37: {  	[smem:$0x3FAE] =	sst s10  }
0x38: {  	s10 =	sld [smem:$0x3FAF]  }
0x39: {  	_ = 	snop;
	(pc) =	sbr.ind lr, $3  }
0x3a: {  	_ = 	snop  }
0x3b: {  	_ = 	snop  }
0x3c: {  	p2 =	seq.s32 s10, $0x1;
	s10 =	sld [smem:$0x3FAE]  }
0x3d: {  	_ =	shalt  }
0x3e: {  	_ =	shalt  }
0x3f: {  	_ =	shalt  }
0x40: {  	_ =	shalt  }
0x41: {  	_ =	shalt  }
0x42: {  	_ =	shalt  }
0x43: {  	_ =	shalt  }
0x44: {  	_ =	shalt  }
0x45: {  	_ =	shalt  }
0x46: {  	_ =	shalt  }
0x47: {  	_ =	shalt  }
0x48: {  	_ =	shalt  }
0x49: {  	_ =	shalt  }
0x4a: {  	_ =	shalt  }
0x4b: {  	_ =	shalt  }
0x4c: {  	_ =	shalt  }
0x4d: {  	_ =	shalt  }
0x4e: {  	_ =	shalt  }
0x4f: {  	_ =	shalt  }
0x50: {  	_ =	shalt  }
0x51: {  	_ =	shalt  }
0x52: {  	_ =	shalt  }
0x53: {  	_ =	shalt  }
0x54: {  	_ =	shalt  }
0x55: {  	_ =	shalt  }
0x56: {  	_ =	shalt  }
0x57: {  	_ =	shalt  }
0x58: {  	_ =	shalt  }
0x59: {  	_ =	shalt  }
0x5a: {  	_ =	shalt  }
0x5b: {  	_ =	shalt  }
0x5c: {  	_ =	shalt  }
0x5d: {  	_ =	shalt  }
0x5e: {  	_ =	shalt  }
0x5f: {  	_ =	shalt  }
0x60: {  	_ =	shalt  }
0x61: {  	_ =	shalt  }
0x62: {  	_ =	shalt  }
0x63: {  	_ =	shalt  }
0x64: {  	_ =	shalt  }
0x65: {  	_ =	shalt  }
0x66: {  	_ =	shalt  }
0x67: {  	_ =	shalt  }
0x68: {  	_ =	shalt  }
0x69: {  	_ =	shalt  }
0x6a: {  	_ =	shalt  }
0x6b: {  	_ =	shalt  }
0x6c: {  	_ =	shalt  }
0x6d: {  	_ =	shalt  }
0x6e: {  	_ =	shalt  }
0x6f: {  	_ =	shalt  }
0x70: {  	_ =	shalt  }
0x71: {  	_ =	shalt  }
0x72: {  	_ =	shalt  }
0x73: {  	_ =	shalt  }
0x74: {  	_ =	shalt  }
0x75: {  	_ =	shalt  }
0x76: {  	_ =	shalt  }
0x77: {  	_ =	shalt  }
0x78: {  	_ =	shalt  }
0x79: {  	_ =	shalt  }
0x7a: {  	_ =	shalt  }
0x7b: {  	_ =	shalt  }
0x7c: {  	_ =	shalt  }
0x7d: {  	_ =	shalt  }
0x7e: {  	_ =	shalt  }
0x7f: {  	_ =	shalt  }
0x80: {  	_ =	shalt  }
0x81: {  	_ =	shalt  }
0x82: {  	_ =	shalt  }
0x83: {  	_ =	shalt  }
0x84: {  	_ =	shalt  }
0x85: {  	_ =	shalt  }
0x86: {  	_ =	shalt  }
0x87: {  	_ =	shalt  }
.Lfunc_end0:
.L_simem_size_0:
called_computation_lowered:
.L_overlay_start_0:
0x88: {  	s2 =	sld [smem:$0x3FD9]  }
0x89: {  	s3 =	sld [smem:$0x3FFE];
	_ =	sdelay $0x1  }
0x8a: {  	s1 =	srdreg.scid  }
0x8b: {  	s0 =	sand.u32 $0x1, s1  }
0x8c: {  	s17 =	sshll.u32 s0, $0xA;
	s2 =	sadd.s32 s3, s2  }
0x8d: {  	s2 =	sadd.s32 s2, s17  }
0x8e: {  	[smem:$0x3FBA] =	sst s2  }
0x8f: {  	_ = 	snop  }
0x90: {  	s2 =	sld [smem:$0x3FC4];
	(tm) =	ssettm $0x1  }
0x91: {  	s18 =	sld [smem:$0x3FFB];
	_ =	sdelay $0x3  }
0x92: {  	_ =	strace s18  }
0x93: {  	s3 =	sld [smem:$0x3FFC];
	_ =	sdelay $0x3  }
0x94: {  	_ =	strace s3  }
0x95: {  	s3 =	sld [smem:$0x3FFD];
	_ =	sdelay $0x3  }
0x96: {  	_ =	strace s3  }
0x97: {  	_ =	strace $0x8FFFFFFF  }
0x98: {  	s19 =	sld [smem:$0x3FDB];
	_ =	sdelay $0x1  }
0x99: {  	s4 =	simm.s32 $_scs_section_size  }
0x9a: {  	s5 =	simm.s32 $_size__tile_overlayer_lowered;
	s6 =	simm.s32 $_tile_overlayer_lowered  }
0x9b: {  	s22 =	simm.s32 $0x1BFF;
	s21 =	sshll.u32 s6, $0x1;
	s3 =	sadd.s32 s4, s19  }
0x9c: {  	s7 =	simm.s32 $0x0;
	s20 =	sshll.u32 s5, $0x1;
	s5 =	sadd.s32 s21, s3  }
0x9d: {  	[timem:s7], [sflag:s22] =	dma.local [hbm:s5], s20  }
0x9e: {  	_ =	swait.ge [sflag:s22], s20  }
0x9f: {  	s4 =	ssub.s32 $0x0, s20;
	[sflag:s22] =	ssyncset.done $0x0  }
0xa0: {  	[sflag:s22] =	ssyncadd.s32 s4;
	_ =	sdelay $0x1  }
0xa1: {  	s23 =	simm.s32 $0x1B8B  }
0xa2: {  	_ =	swait.ge [sflag:s23], $0x1  }
0xa3: {  	[sflag:s23] =	ssyncset.done $0x0  }
0xa4: {  	s25 =	simm.s32 $0x1B8E;
	s24 =	sld [smem:$0x3FFE];
	[sflag:s23] =	ssyncadd.s32 $0xFFFFFFFF  }
0xa5: {  	s26 =	simm.s32 $execute0_lowered;
	[smem:$0x3FD2] =	sst s25  }
0xa6: {  	s5 =	sshll.u32 s26, $0x1;
	_ =	strace $0x80000046;
	[dreg:$0x1] =	wrdreg $0xFFFFFFFF  }
0xa7: {  	s28 =	simm.s32 $_size_execute0_lowered;
	s3 =	sadd.s32 s3, s5;
	[dreg:$0x0] =	wrdreg $0x0  }
0xa8: {  	s5 =	sshll.u32 s28, $0x1;
	[dreg:$0x2] =	wrdreg s3  }
0xa9: {  	[dreg:$0x3] =	wrdreg s5  }
0xaa: {  	[dreg:$0x4] =	wrdreg $0xC0  }
0xab: {  	_ =	task [dreg:s7], $0x5FFFF  }
0xac: {  	[dreg:$0x1] =	wrdreg $0xFFFFFFFF  }
0xad: {  	[dreg:$0x0] =	wrdreg $0x60  }
0xae: {  	[dreg:$0x2] =	wrdreg s24  }
0xaf: {  	[dreg:$0x3] =	wrdreg s2  }
0xb0: {  	[dreg:$0x4] =	wrdreg $0x9800  }
0xb1: {  	[dreg:$0x5] =	wrdreg $0x9  }
0xb2: {  	_ =	task.clear_ibuf [dreg:s7], $0x6FFFF;
	_ =	strace $0x90000046  }
0xb3: {  	s29 =	simm.s32 $0x9;
	_ =	strace $0x80000048  }
0xb4: {  	_ =	swait.ge [sflag:s29], $0x1  }
0xb5: {  	[sflag:s29] =	ssyncadd.s32 $0xFFFFFFFF  }
0xb6: {  	_ =	strace $0x90000048  }
0xb7: {  	_ =	sfence  }
0xb8: {  	s30 =	sld [smem:$0x0];
	_ =	sdelay $0x2  }
0xb9: {  	s31 =	sshll.u32 s1, $0xD;
	s1 =	sshrl.u32 s1, $0x2  }
0xba: {  	s3 =	sand.u32 $0x4000, s31;
	s1 =	sadd.s32 s1, s30  }
0xbb: {  	s0 =	sor.u32 s3, s0;
	s1 =	sshll.u32 s1, $0x11  }
0xbc: {  	s0 =	sor.u32 s1, s0  }
0xbd: {  	s0 =	sadd.s32 $0x8F2B, s0  }
0xbe: {  	[sflag:s0] =	ssyncadd.remote.s32 $0x1  }
0xbf: {  	_ =	sfence.sel $0xFFFF  }
0xc0: {  	[dreg:$0x0] =	wrdreg $0xFFFFFFFF;
	(pc) =	sbr.abs _section_cstart, $3  }
0xc1: {  	[dreg:$0x1] =	wrdreg $0xFFFFFFFF  }
0xc2: {  	_ =	task.clear_ibuf [dreg:s7], $0x2FFFF;
	_ =	strace $0x9FFFFFFF  }
0xc3: {  	(tm) =	ssettm $0x7FFFFFFF  }
tec
execute0_lowered:
.L_overlay_start_1:
0x0: {  	(tag) =	ssettag $0x1  }
0x1: {  	s7 =	rddreg [dreg:$0x0]  }
0x2: {  	s2 =	rddreg [dreg:$0x1]  }
0x3: {  	s1 =	rddreg [dreg:$0x2]  }
0x4: {  	s5 =	stileid.u32;
	s3 =	srdreg.scid  }
0x5: {  	s0 =	rddreg [dreg:$0x3];
	s4 =	sshll.u32 s5, $0x1;
	s9 =	sand.u32 $0x1, s3  }
0x6: {  	s3 =	simm.s32 $0x0;
	s4 =	sadd.s32 s4, s7;
	s6 =	sshll.u32 s9, $0x5  }
0x7: {  	[smem:$0x7FF] =	sst s3;
	s4 =	sadd.s32 s6, s4  }
0x8: {  	p0 =	sne.s32 s5, $0x0;
	_ =	strace $0x80000047;
	s4 =	sadd.s32 $0x1800, s4  }
0x9: {  	v0 =	vimm.f32 @!p0 $0.0e+00;
	[tilespmem:s3], [sflag:$0x1] =	stream.linear.gather [hbm4b:s4+s3], $0x10, $0x38;
	[tilespmem:$0x990] =	vst v63  }
0xa: {  	[tilespmem:$0x970] =	vst @!p0 v0  }
0xb: {  	[tilespmem:$0x960] =	vst @!p0 v0  }
0xc: {  	[tilespmem:$0x950] =	vst @!p0 v0  }
0xd: {  	[tilespmem:$0x940] =	vst @!p0 v0  }
0xe: {  	[tilespmem:$0x930] =	vst @!p0 v0  }
0xf: {  	[tilespmem:$0x920] =	vst @!p0 v0  }
0x10: {  	[tilespmem:$0x910] =	vst @!p0 v0  }
0x11: {  	[tilespmem:$0x900] =	vst @!p0 v0  }
0x12: {  	[tilespmem:$0x8F0] =	vst @!p0 v0  }
0x13: {  	[tilespmem:$0x8E0] =	vst @!p0 v0  }
0x14: {  	[tilespmem:$0x8D0] =	vst @!p0 v0  }
0x15: {  	[tilespmem:$0x8C0] =	vst @!p0 v0  }
0x16: {  	[tilespmem:$0x8B0] =	vst @!p0 v0  }
0x17: {  	[tilespmem:$0x8A0] =	vst @!p0 v0  }
0x18: {  	[tilespmem:$0x890] =	vst @!p0 v0  }
0x19: {  	s5 =	simm.s32 @!p0 $0x2;
	s6 =	simm.s32 @!p0 $0x880;
	[tilespmem:$0x880] =	vst @!p0 v0  }
0x1a: {  	[spmem:s1] =	stream.linear.scatter @!p0 [tilespmem:s6], [sflag:$0x2], $0x100, $0x38;
	[tilespmem:$0x990] =	vst v63  }
0x1b: {  	_ =	swait.ge @!p0 [sflag:s5], $0x100  }
0x1c: {  	[sflag:s5] =	ssyncset.done @!p0 $0x0  }
0x1d: {  	s8 =	simm.s32 $0x1;
	s10 =	ssub.s32 $0x2, s9;
	[sflag:s5] =	ssyncadd.s32 @!p0 $0xFFFFFF00  }
0x1e: {  	s11 =	sshrl.u32 s10, $0x1;
	_ =	swait.ge [sflag:s8], $0x10  }
0x1f: {  	s10 =	ssub.s32 s10, s11;
	[sflag:s8] =	ssyncset.done $0x0  }
0x20: {  	s10 =	smax.u32 s10, $0x1;
	[sflag:s8] =	ssyncadd.s32 $0xFFFFFFF0  }
0x21: {  	s12 =	sadd.s32 $0xFFFFFFFF, s10;
	v1 =	vld [tilespmem:$0x0]  }
0x22: {  	p1 =	sne.s32 s12, $0x0  }
.Ltmp0:
0x23: {  	_ = 	snop;
	(pc) =	sbr.rel @!p1 .LBB2_2-.Ltmp0, $4  }
0x24: {  	_ = 	snop  }
0x25: {  	s9 =	sshll.u32 s9, $0x4  }
0x26: {  	s7 =	sadd.s32 s9, s7;
	s9 =	sshrl.u32 @!p0 s1, $0x3;
	vm1 =	vgt.s32 v1, $0x0  }
0x27: {  	vm0 =	vmmov $0xffff;
	s7 =	sadd.s32 $0x1A00, s7;
	s11 =	simm.s32 $0x80;
	s10 =	simm.s32 $0x2;
	v2 =	vnsel vm1, $0x0, v1  }
.LBB2_1:
0x28: {  	_ =	sdelay $0x1  }
0x29: {  	s12 =	sadd.s32 $0xFFFFFFFF, s12  }
0x2a: {  	v1 =	vshrl.u32 v1, $0x1F;
	p1 =	sne.s32 s12, $0x0  }
0x2b: {  	[tilespmem:s11], [sflag:$0x2] =	stream.indirect_vreg.gather [hbm4b:s2+s3], $0x80, v2, vm0, $0xb8;
	[tilespmem:$0x990] =	vst v63  }
0x2c: {  	_ =	swait.ge [sflag:s10], $0x800  }
0x2d: {  	[sflag:s10] =	ssyncset.done $0x0  }
0x2e: {  	[sflag:s10] =	ssyncadd.s32 $0xFFFFF800  }
0x2f: {  	[bflag:$0x0] =	sbarrier.arrive $0xFFFF  }
0x30: {  	[spmem:s1] =	stream.indirect_vreg.scatter.add.f32 [tilespmem:s11], [sflag:$0x2], $0x80, v1, vm0, $0xb8;
	[tilespmem:$0x990] =	vst v63  }
0x31: {  	_ =	swait.ge [sflag:s10], $0x800  }
0x32: {  	[sflag:s10] =	ssyncset.done $0x0  }
0x33: {  	s13 =	simm.s32 @!p0 $0x1C02;
	[sflag:s10] =	ssyncadd.s32 $0xFFFFF800  }
0x34: {  	[bflag:$0x0] =	sbarrier.arrive $0xFFFF  }
0x35: {  	[hbm:s7], [sflag:s13] =	dma.local @!p0 [spmem:s9], $0x10  }
0x36: {  	_ =	swait.ge @!p0 [sflag:s5], $0x10  }
0x37: {  	[sflag:s5] =	ssyncset.done @!p0 $0x0  }
0x38: {  	[sflag:s5] =	ssyncadd.s32 @!p0 $0xFFFFFFF0  }
0x39: {  	[tilespmem:s3], [sflag:$0x1] =	stream.linear.gather [hbm4b:s4+s3], $0x10, $0x38;
	[tilespmem:$0x990] =	vst v63  }
0x3a: {  	[tilespmem:$0x970] =	vst @!p0 v0  }
0x3b: {  	[tilespmem:$0x960] =	vst @!p0 v0  }
0x3c: {  	[tilespmem:$0x950] =	vst @!p0 v0  }
0x3d: {  	[tilespmem:$0x940] =	vst @!p0 v0  }
0x3e: {  	[tilespmem:$0x930] =	vst @!p0 v0  }
0x3f: {  	[tilespmem:$0x920] =	vst @!p0 v0  }
0x40: {  	[tilespmem:$0x910] =	vst @!p0 v0  }
0x41: {  	[tilespmem:$0x900] =	vst @!p0 v0  }
0x42: {  	[tilespmem:$0x8F0] =	vst @!p0 v0  }
0x43: {  	[tilespmem:$0x8E0] =	vst @!p0 v0  }
0x44: {  	[tilespmem:$0x8D0] =	vst @!p0 v0  }
0x45: {  	[tilespmem:$0x8C0] =	vst @!p0 v0  }
0x46: {  	[tilespmem:$0x8B0] =	vst @!p0 v0  }
0x47: {  	[tilespmem:$0x8A0] =	vst @!p0 v0  }
0x48: {  	[tilespmem:$0x890] =	vst @!p0 v0  }
0x49: {  	[tilespmem:$0x880] =	vst @!p0 v0  }
0x4a: {  	[spmem:s1] =	stream.linear.scatter @!p0 [tilespmem:s6], [sflag:$0x2], $0x100, $0x38;
	[tilespmem:$0x990] =	vst v63  }
0x4b: {  	_ =	swait.ge @!p0 [sflag:s5], $0x100  }
0x4c: {  	[sflag:s5] =	ssyncset.done @!p0 $0x0  }
0x4d: {  	[sflag:s5] =	ssyncadd.s32 @!p0 $0xFFFFFF00  }
0x4e: {  	_ =	swait.ge [sflag:s8], $0x10  }
0x4f: {  	[sflag:s8] =	ssyncset.done $0x0  }
0x50: {  	[sflag:s8] =	ssyncadd.s32 $0xFFFFFFF0  }
0x51: {  	v1 =	vld [tilespmem:$0x0];
	_ =	sdelay $0x1  }
.Ltmp1:
0x52: {  	(pc) =	sbr.rel @p1 .LBB2_1-.Ltmp1, $3  }
0x53: {  	_ =	sdelay $0x1  }
0x54: {  	vm1 =	vgt.s32 v1, $0x0  }
0x55: {  	v2 =	vnsel vm1, $0x0, v1  }
.LBB2_2:
0x56: {  	_ =	sdelay $0x3  }
0x57: {  	v0 =	vshrl.u32 v1, $0x1F;
	[tilespmem:s11], [sflag:$0x2] =	stream.indirect_vreg.gather [hbm4b:s2+s3], $0x80, v2, vm0, $0xb8;
	[tilespmem:$0x990] =	vst v63  }
0x58: {  	_ =	swait.ge [sflag:s10], $0x800  }
0x59: {  	[sflag:s10] =	ssyncset.done $0x0  }
0x5a: {  	[sflag:s10] =	ssyncadd.s32 $0xFFFFF800  }
0x5b: {  	[bflag:$0x0] =	sbarrier.arrive $0xFFFF  }
0x5c: {  	[spmem:s1] =	stream.indirect_vreg.scatter.add.f32 [tilespmem:s11], [sflag:$0x2], $0x80, v0, vm0, $0xb8;
	[tilespmem:$0x990] =	vst v63  }
0x5d: {  	_ =	swait.ge [sflag:s10], $0x800  }
0x5e: {  	[sflag:s10] =	ssyncset.done $0x0  }
0x5f: {  	[sflag:s10] =	ssyncadd.s32 $0xFFFFF800  }
0x60: {  	s1 =	simm.s32 @!p0 $0x1C02;
	[bflag:$0x0] =	sbarrier.arrive $0xFFFF  }
0x61: {  	[hbm:s7], [sflag:s1] =	dma.local @!p0 [spmem:s9], $0x10  }
0x62: {  	_ =	swait.ge @!p0 [sflag:s5], $0x10  }
0x63: {  	[sflag:s5] =	ssyncset.done @!p0 $0x0  }
0x64: {  	[sflag:s5] =	ssyncadd.s32 @!p0 $0xFFFFFFF0  }
0x65: {  	_ =	sfence.sel $0x180000  }
0x66: {  	[bflag:$0x0] =	sbarrier.arrive $0xFFFF  }
0x67: {  	_ =	strace $0x90000047  }
0x68: {  	s0 =	sadd.s32 @!p0 $0x100000, s0;
	[bflag:$0x2] =	sbarrier.arrive $0xFFFF  }
0x69: {  	[sflag:s0] =	ssyncadd.tile.s32 @!p0 $0x1;
	_ =	shalt  }
.Lfunc_end2:
_tile_overlayer_lowered:
.L_overlay_start_2:
0x6a: {  	(tag) =	ssettag $0x2  }
0x6b: {  	s0 =	rddreg [dreg:$0x0];
	s2 =	stileid.u32  }
0x6c: {  	s1 =	rddreg [dreg:$0x1];
	p0 =	sne.s32 s2, $0x0  }
0x6d: {  	s3 =	rddreg [dreg:$0x2];
	[bflag:$0x3] =	sbarrier.arrive $0xFFFF;
	s2 =	simm.s32 @!p0 $0x1C02  }
0x6e: {  	[timem:s3], [sflag:s2] =	dma.local @!p0 [hbm:s0], s1  }
0x6f: {  	s0 =	simm.s32 @!p0 $0x2  }
0x70: {  	_ =	swait.ge @!p0 [sflag:s0], s1  }
0x71: {  	s1 =	ssub.s32 @!p0 $0x0, s1;
	[sflag:s0] =	ssyncset.done @!p0 $0x0  }
0x72: {  	[sflag:s0] =	ssyncadd.s32 @!p0 s1  }
0x73: {  	[bflag:$0x3] =	sbarrier.arrive $0xFFFF  }
0x74: {  	_ =	shalt  }

</sc_bundles>
